<compile_context>
chip_gen: v7x
topology: tpu7x:2x2x1
jax: 0.10.2.dev20260603
libtpu: 0.0.44.dev20260713+nightly
codegen_flags: <defaults>
</compile_context>

<pallas_src>
import functools

import jax
import jax.numpy as jnp
from jax import lax
from jax.experimental import pallas as pl
from jax.experimental.pallas import tpu as pltpu
from jax.experimental.pallas import tpu_sc as plsc

NUM_CLASSES = 1000
HIDDEN = 128
BATCH = 16384

_NC = 2
_NS = 16
_NW = _NC * _NS
_BPW = BATCH // _NW
_CHUNK = 128
_NCHUNK = _BPW // _CHUNK


def _embed_body(labels_hbm, table_hbm, out_hbm, idx_v, rows_v, gsem, ssem):
    wid = lax.axis_index("s") * _NC + lax.axis_index("c")
    base = wid * _BPW

    pltpu.sync_copy(labels_hbm.at[pl.ds(wid * _NCHUNK, _NCHUNK), :], idx_v)

    gathers = []
    for j in range(_NCHUNK):
        gathers.append(
            pltpu.async_copy(table_hbm.at[idx_v.at[j]],
                             rows_v.at[pl.ds(j * _CHUNK, _CHUNK), :],
                             gsem))
    scatters = []
    for j in range(_NCHUNK):
        gathers[j].wait()
        scatters.append(
            pltpu.async_copy(rows_v.at[pl.ds(j * _CHUNK, _CHUNK), :],
                             out_hbm.at[pl.ds(base + j * _CHUNK, _CHUNK), :],
                             ssem))
    for s in scatters:
        s.wait()


@jax.jit
def _embed(labels, table):
    mesh = plsc.VectorSubcoreMesh(core_axis_name="c", subcore_axis_name="s")
    return pl.kernel(
        _embed_body,
        out_type=jax.ShapeDtypeStruct((BATCH, HIDDEN), jnp.float32),
        mesh=mesh,
        scratch_types=[
            pltpu.VMEM((_NCHUNK, _CHUNK), jnp.int32),
            pltpu.VMEM((_BPW, HIDDEN), jnp.float32),
            pltpu.SemaphoreType.DMA,
            pltpu.SemaphoreType.DMA,
        ],
    )(labels.reshape(BATCH // _CHUNK, _CHUNK), table)


def kernel(labels, embedding_table):
    return _embed(labels, embedding_table)

# --- scband reference (transcript-rebuilt; emitter-appended) ---
"""Pipeline reference for scband-label-embedder-44117904064810 (READ-ONLY COPY).

The authoritative reference and input builder live on the scoring server;
editing this copy changes nothing except your own understanding.
"""

import jax, jax.numpy as jnp
import numpy as np

NUM_CLASSES = 1000
HIDDEN = 128
BATCH = 16384

def setup_inputs(seed: int = 0) -> dict:
    key = jax.random.key(seed)
    k_lbl, k_tab = jax.random.split(key)
    labels = jax.random.randint(k_lbl, (BATCH,), 0, NUM_CLASSES, dtype=jnp.int64 if jax.config.jax_enable_x64 else jnp.int32)
    # embedding table has num_classes + 1 rows (extra row is the CFG null/drop token)
    embedding_table = jax.random.normal(k_tab, (NUM_CLASSES + 1, HIDDEN), dtype=jnp.float32) * 0.02
    return {"labels": labels, "embedding_table": embedding_table}

def reference(labels, embedding_table):
    # LabelEmbedder.__call__ with train=False, force_drop_ids=None:
    # no token_drop is applied, just the embedding lookup.
    embeddings = jnp.take(embedding_table, labels, axis=0)
    return embeddings

if __name__ == "__main__":
    import jax
    _d = setup_inputs()
    print(jax.jit(kernel)(*tuple(_d.values())))

</pallas_src>

<mosaic_0001>
#map = affine_map<(d0, d1) -> (0, 0)>
module attributes {stable_mosaic.version = 14 : i64} {
  func.func @_embed_body(%arg0: i32, %arg1: i32, %arg2: memref<128x128xi32, #tpu.memory_space<hbm>>, %arg3: memref<1001x128xf32, #tpu.memory_space<hbm>>, %arg4: memref<16384x128xf32, #tpu.memory_space<hbm>>, %arg5: memref<4x128xi32, #tpu.memory_space<vmem>>, %arg6: memref<512x128xf32, #tpu.memory_space<vmem>>, %arg7: memref<!tpu.dma_semaphore, #tpu.memory_space<semaphore_mem>>, %arg8: memref<!tpu.dma_semaphore, #tpu.memory_space<semaphore_mem>>) attributes {dimension_semantics = [#tpu.dimension_semantics<core_parallel>, #tpu.dimension_semantics<subcore_parallel>], iteration_bounds = array<i64: 2, 16>, scalar_prefetch = 0 : i64, scratch_operands = 4 : i64, tpu.core_type = #tpu.core_type<sc_vector_subcore>, window_params = [{transform_indices = #map}, {transform_indices = #map}, {transform_indices = #map}]} {
    %mul3A = arith.constant 2 : i32
    %mul3A_0 = arith.muli %arg1, %mul3A : i32
    %add3A = arith.addi %mul3A_0, %arg0 : i32
    %mul3A_1 = arith.constant 512 : i32
    %mul3A_2 = arith.muli %add3A, %mul3A_1 : i32
    %mul3A_3 = arith.constant 4 : i32
    %mul3A_4 = arith.muli %add3A, %mul3A_3 : i32
    "tpu.region"() ({
      %run_scoped3A = tpu.sem_alloc : memref<!tpu.dma_semaphore, #tpu.memory_space<semaphore_mem>>
      %dma_start3A_171 = arith.constant 0 : i32
      %dma_start3A_172 = tpu.memref_slice %arg2[%mul3A_4, %dma_start3A_171] : memref<128x128xi32, #tpu.memory_space<hbm>> -> memref<4x128xi32, #tpu.memory_space<hbm>>
      %dma_start3A_173 = arith.constant 0 : i32
      %dma_start3A_174 = tpu.memref_slice %arg2[%mul3A_4, %dma_start3A_173] : memref<128x128xi32, #tpu.memory_space<hbm>> -> memref<4x128xi32, #tpu.memory_space<hbm>>
      tpu.enqueue_dma source(%dma_start3A_174 : memref<4x128xi32, #tpu.memory_space<hbm>>) target(%arg5 : memref<4x128xi32, #tpu.memory_space<vmem>>) target_semaphore(%run_scoped3A : memref<!tpu.dma_semaphore, #tpu.memory_space<semaphore_mem>>)
      %dma_wait3A_175 = arith.constant 0 : i32
      %dma_wait3A_176 = tpu.memref_slice %arg2[%mul3A_4, %dma_wait3A_175] : memref<128x128xi32, #tpu.memory_space<hbm>> -> memref<4x128xi32, #tpu.memory_space<hbm>>
      %dma_wait3A_177 = arith.constant 0 : i32
      %dma_wait3A_178 = tpu.memref_slice %arg2[%mul3A_4, %dma_wait3A_177] : memref<128x128xi32, #tpu.memory_space<hbm>> -> memref<4x128xi32, #tpu.memory_space<hbm>>
      tpu.wait_dma2 semaphore(%run_scoped3A : memref<!tpu.dma_semaphore, #tpu.memory_space<semaphore_mem>>) src(%dma_wait3A_178 : memref<4x128xi32, #tpu.memory_space<hbm>>) dst(%arg5 : memref<4x128xi32, #tpu.memory_space<vmem>>)
      tpu.yield
    }) : () -> ()
    %dma_start3A = arith.constant 0 : i32
    %dma_start3A_5 = arith.constant 0 : i32
    %dma_start3A_6 = arith.constant 0 : i32
    %dma_start3A_7 = tpu.memref_slice %arg6[%dma_start3A_5, %dma_start3A_6] : memref<512x128xf32, #tpu.memory_space<vmem>> -> memref<128x128xf32, #tpu.memory_space<vmem>>
    %dma_start3A_8 = arith.constant 0 : i32
    %dma_start3A_9 = tpu.memref_slice %arg5[%dma_start3A, %dma_start3A_8] : memref<4x128xi32, #tpu.memory_space<vmem>> -> memref<1x128xi32, #tpu.memory_space<vmem>>
    %dma_start3A_10 = tpu.memref_squeeze %dma_start3A_9 : memref<1x128xi32, #tpu.memory_space<vmem>> -> memref<128xi32, #tpu.memory_space<vmem>>
    %dma_start3A_11 = arith.constant 0 : i32
    %dma_start3A_12 = arith.constant 0 : i32
    %dma_start3A_13 = tpu.memref_slice %arg3[%dma_start3A_11, %dma_start3A_12] : memref<1001x128xf32, #tpu.memory_space<hbm>> -> memref<1001x128xf32, #tpu.memory_space<hbm>>
    tpu.enqueue_indirect_dma source(%dma_start3A_13 : memref<1001x128xf32, #tpu.memory_space<hbm>>) target(%dma_start3A_7 : memref<128x128xf32, #tpu.memory_space<vmem>>) offsets(%dma_start3A_10 : memref<128xi32, #tpu.memory_space<vmem>>) semaphore(%arg7 : memref<!tpu.dma_semaphore, #tpu.memory_space<semaphore_mem>>)
    %dma_start3A_14 = arith.constant 1 : i32
    %dma_start3A_15 = arith.constant 128 : i32
    %dma_start3A_16 = arith.constant 0 : i32
    %dma_start3A_17 = tpu.memref_slice %arg6[%dma_start3A_15, %dma_start3A_16] : memref<512x128xf32, #tpu.memory_space<vmem>> -> memref<128x128xf32, #tpu.memory_space<vmem>>
    %dma_start3A_18 = arith.constant 0 : i32
    %dma_start3A_19 = tpu.memref_slice %arg5[%dma_start3A_14, %dma_start3A_18] : memref<4x128xi32, #tpu.memory_space<vmem>> -> memref<1x128xi32, #tpu.memory_space<vmem>>
    %dma_start3A_20 = tpu.memref_squeeze %dma_start3A_19 : memref<1x128xi32, #tpu.memory_space<vmem>> -> memref<128xi32, #tpu.memory_space<vmem>>
    %dma_start3A_21 = arith.constant 0 : i32
    %dma_start3A_22 = arith.constant 0 : i32
    %dma_start3A_23 = tpu.memref_slice %arg3[%dma_start3A_21, %dma_start3A_22] : memref<1001x128xf32, #tpu.memory_space<hbm>> -> memref<1001x128xf32, #tpu.memory_space<hbm>>
    tpu.enqueue_indirect_dma source(%dma_start3A_23 : memref<1001x128xf32, #tpu.memory_space<hbm>>) target(%dma_start3A_17 : memref<128x128xf32, #tpu.memory_space<vmem>>) offsets(%dma_start3A_20 : memref<128xi32, #tpu.memory_space<vmem>>) semaphore(%arg7 : memref<!tpu.dma_semaphore, #tpu.memory_space<semaphore_mem>>)
    %dma_start3A_24 = arith.constant 2 : i32
    %dma_start3A_25 = arith.constant 256 : i32
    %dma_start3A_26 = arith.constant 0 : i32
    %dma_start3A_27 = tpu.memref_slice %arg6[%dma_start3A_25, %dma_start3A_26] : memref<512x128xf32, #tpu.memory_space<vmem>> -> memref<128x128xf32, #tpu.memory_space<vmem>>
    %dma_start3A_28 = arith.constant 0 : i32
    %dma_start3A_29 = tpu.memref_slice %arg5[%dma_start3A_24, %dma_start3A_28] : memref<4x128xi32, #tpu.memory_space<vmem>> -> memref<1x128xi32, #tpu.memory_space<vmem>>
    %dma_start3A_30 = tpu.memref_squeeze %dma_start3A_29 : memref<1x128xi32, #tpu.memory_space<vmem>> -> memref<128xi32, #tpu.memory_space<vmem>>
    %dma_start3A_31 = arith.constant 0 : i32
    %dma_start3A_32 = arith.constant 0 : i32
    %dma_start3A_33 = tpu.memref_slice %arg3[%dma_start3A_31, %dma_start3A_32] : memref<1001x128xf32, #tpu.memory_space<hbm>> -> memref<1001x128xf32, #tpu.memory_space<hbm>>
    tpu.enqueue_indirect_dma source(%dma_start3A_33 : memref<1001x128xf32, #tpu.memory_space<hbm>>) target(%dma_start3A_27 : memref<128x128xf32, #tpu.memory_space<vmem>>) offsets(%dma_start3A_30 : memref<128xi32, #tpu.memory_space<vmem>>) semaphore(%arg7 : memref<!tpu.dma_semaphore, #tpu.memory_space<semaphore_mem>>)
    %dma_start3A_34 = arith.constant 3 : i32
    %dma_start3A_35 = arith.constant 384 : i32
    %dma_start3A_36 = arith.constant 0 : i32
    %dma_start3A_37 = tpu.memref_slice %arg6[%dma_start3A_35, %dma_start3A_36] : memref<512x128xf32, #tpu.memory_space<vmem>> -> memref<128x128xf32, #tpu.memory_space<vmem>>
    %dma_start3A_38 = arith.constant 0 : i32
    %dma_start3A_39 = tpu.memref_slice %arg5[%dma_start3A_34, %dma_start3A_38] : memref<4x128xi32, #tpu.memory_space<vmem>> -> memref<1x128xi32, #tpu.memory_space<vmem>>
    %dma_start3A_40 = tpu.memref_squeeze %dma_start3A_39 : memref<1x128xi32, #tpu.memory_space<vmem>> -> memref<128xi32, #tpu.memory_space<vmem>>
    %dma_start3A_41 = arith.constant 0 : i32
    %dma_start3A_42 = arith.constant 0 : i32
    %dma_start3A_43 = tpu.memref_slice %arg3[%dma_start3A_41, %dma_start3A_42] : memref<1001x128xf32, #tpu.memory_space<hbm>> -> memref<1001x128xf32, #tpu.memory_space<hbm>>
    tpu.enqueue_indirect_dma source(%dma_start3A_43 : memref<1001x128xf32, #tpu.memory_space<hbm>>) target(%dma_start3A_37 : memref<128x128xf32, #tpu.memory_space<vmem>>) offsets(%dma_start3A_40 : memref<128xi32, #tpu.memory_space<vmem>>) semaphore(%arg7 : memref<!tpu.dma_semaphore, #tpu.memory_space<semaphore_mem>>)
    %dma_wait3A = arith.constant 0 : i32
    %dma_wait3A_44 = arith.constant 0 : i32
    %dma_wait3A_45 = arith.constant 0 : i32
    %dma_wait3A_46 = tpu.memref_slice %arg6[%dma_wait3A_44, %dma_wait3A_45] : memref<512x128xf32, #tpu.memory_space<vmem>> -> memref<128x128xf32, #tpu.memory_space<vmem>>
    %dma_wait3A_47 = arith.constant 0 : i32
    %dma_wait3A_48 = tpu.memref_slice %arg5[%dma_wait3A, %dma_wait3A_47] : memref<4x128xi32, #tpu.memory_space<vmem>> -> memref<1x128xi32, #tpu.memory_space<vmem>>
    %dma_wait3A_49 = tpu.memref_squeeze %dma_wait3A_48 : memref<1x128xi32, #tpu.memory_space<vmem>> -> memref<128xi32, #tpu.memory_space<vmem>>
    %dma_wait3A_50 = arith.constant 0 : i32
    %dma_wait3A_51 = arith.constant 0 : i32
    %dma_wait3A_52 = tpu.memref_slice %arg3[%dma_wait3A_50, %dma_wait3A_51] : memref<1001x128xf32, #tpu.memory_space<hbm>> -> memref<1001x128xf32, #tpu.memory_space<hbm>>
    tpu.wait_indirect_dma semaphore(%arg7 : memref<!tpu.dma_semaphore, #tpu.memory_space<semaphore_mem>>) src(%dma_wait3A_52 : memref<1001x128xf32, #tpu.memory_space<hbm>>) dst(%dma_wait3A_46 : memref<128x128xf32, #tpu.memory_space<vmem>>)
    %add3A_53 = arith.constant 0 : i32
    %add3A_54 = arith.addi %mul3A_2, %add3A_53 : i32
    %dma_start3A_55 = arith.constant 0 : i32
    %dma_start3A_56 = arith.constant 0 : i32
    %dma_start3A_57 = tpu.memref_slice %arg6[%dma_start3A_55, %dma_start3A_56] : memref<512x128xf32, #tpu.memory_space<vmem>> -> memref<128x128xf32, #tpu.memory_space<vmem>>
    %dma_start3A_58 = arith.constant 0 : i32
    %dma_start3A_59 = tpu.memref_slice %arg4[%add3A_54, %dma_start3A_58] : memref<16384x128xf32, #tpu.memory_space<hbm>> -> memref<128x128xf32, #tpu.memory_space<hbm>>
    %dma_start3A_60 = arith.constant 0 : i32
    %dma_start3A_61 = tpu.memref_slice %arg4[%add3A_54, %dma_start3A_60] : memref<16384x128xf32, #tpu.memory_space<hbm>> -> memref<128x128xf32, #tpu.memory_space<hbm>>
    %dma_start3A_62 = arith.constant 0 : i32
    %dma_start3A_63 = arith.constant 0 : i32
    %dma_start3A_64 = tpu.memref_slice %arg6[%dma_start3A_62, %dma_start3A_63] : memref<512x128xf32, #tpu.memory_space<vmem>> -> memref<128x128xf32, #tpu.memory_space<vmem>>
    tpu.enqueue_dma source(%dma_start3A_64 : memref<128x128xf32, #tpu.memory_space<vmem>>) target(%dma_start3A_61 : memref<128x128xf32, #tpu.memory_space<hbm>>) target_semaphore(%arg8 : memref<!tpu.dma_semaphore, #tpu.memory_space<semaphore_mem>>)
    %dma_wait3A_65 = arith.constant 1 : i32
    %dma_wait3A_66 = arith.constant 128 : i32
    %dma_wait3A_67 = arith.constant 0 : i32
    %dma_wait3A_68 = tpu.memref_slice %arg6[%dma_wait3A_66, %dma_wait3A_67] : memref<512x128xf32, #tpu.memory_space<vmem>> -> memref<128x128xf32, #tpu.memory_space<vmem>>
    %dma_wait3A_69 = arith.constant 0 : i32
    %dma_wait3A_70 = tpu.memref_slice %arg5[%dma_wait3A_65, %dma_wait3A_69] : memref<4x128xi32, #tpu.memory_space<vmem>> -> memref<1x128xi32, #tpu.memory_space<vmem>>
    %dma_wait3A_71 = tpu.memref_squeeze %dma_wait3A_70 : memref<1x128xi32, #tpu.memory_space<vmem>> -> memref<128xi32, #tpu.memory_space<vmem>>
    %dma_wait3A_72 = arith.constant 0 : i32
    %dma_wait3A_73 = arith.constant 0 : i32
    %dma_wait3A_74 = tpu.memref_slice %arg3[%dma_wait3A_72, %dma_wait3A_73] : memref<1001x128xf32, #tpu.memory_space<hbm>> -> memref<1001x128xf32, #tpu.memory_space<hbm>>
    tpu.wait_indirect_dma semaphore(%arg7 : memref<!tpu.dma_semaphore, #tpu.memory_space<semaphore_mem>>) src(%dma_wait3A_74 : memref<1001x128xf32, #tpu.memory_space<hbm>>) dst(%dma_wait3A_68 : memref<128x128xf32, #tpu.memory_space<vmem>>)
    %add3A_75 = arith.constant 128 : i32
    %add3A_76 = arith.addi %mul3A_2, %add3A_75 : i32
    %dma_start3A_77 = arith.constant 128 : i32
    %dma_start3A_78 = arith.constant 0 : i32
    %dma_start3A_79 = tpu.memref_slice %arg6[%dma_start3A_77, %dma_start3A_78] : memref<512x128xf32, #tpu.memory_space<vmem>> -> memref<128x128xf32, #tpu.memory_space<vmem>>
    %dma_start3A_80 = arith.constant 0 : i32
    %dma_start3A_81 = tpu.memref_slice %arg4[%add3A_76, %dma_start3A_80] : memref<16384x128xf32, #tpu.memory_space<hbm>> -> memref<128x128xf32, #tpu.memory_space<hbm>>
    %dma_start3A_82 = arith.constant 0 : i32
    %dma_start3A_83 = tpu.memref_slice %arg4[%add3A_76, %dma_start3A_82] : memref<16384x128xf32, #tpu.memory_space<hbm>> -> memref<128x128xf32, #tpu.memory_space<hbm>>
    %dma_start3A_84 = arith.constant 128 : i32
    %dma_start3A_85 = arith.constant 0 : i32
    %dma_start3A_86 = tpu.memref_slice %arg6[%dma_start3A_84, %dma_start3A_85] : memref<512x128xf32, #tpu.memory_space<vmem>> -> memref<128x128xf32, #tpu.memory_space<vmem>>
    tpu.enqueue_dma source(%dma_start3A_86 : memref<128x128xf32, #tpu.memory_space<vmem>>) target(%dma_start3A_83 : memref<128x128xf32, #tpu.memory_space<hbm>>) target_semaphore(%arg8 : memref<!tpu.dma_semaphore, #tpu.memory_space<semaphore_mem>>)
    %dma_wait3A_87 = arith.constant 2 : i32
    %dma_wait3A_88 = arith.constant 256 : i32
    %dma_wait3A_89 = arith.constant 0 : i32
    %dma_wait3A_90 = tpu.memref_slice %arg6[%dma_wait3A_88, %dma_wait3A_89] : memref<512x128xf32, #tpu.memory_space<vmem>> -> memref<128x128xf32, #tpu.memory_space<vmem>>
    %dma_wait3A_91 = arith.constant 0 : i32
    %dma_wait3A_92 = tpu.memref_slice %arg5[%dma_wait3A_87, %dma_wait3A_91] : memref<4x128xi32, #tpu.memory_space<vmem>> -> memref<1x128xi32, #tpu.memory_space<vmem>>
    %dma_wait3A_93 = tpu.memref_squeeze %dma_wait3A_92 : memref<1x128xi32, #tpu.memory_space<vmem>> -> memref<128xi32, #tpu.memory_space<vmem>>
    %dma_wait3A_94 = arith.constant 0 : i32
    %dma_wait3A_95 = arith.constant 0 : i32
    %dma_wait3A_96 = tpu.memref_slice %arg3[%dma_wait3A_94, %dma_wait3A_95] : memref<1001x128xf32, #tpu.memory_space<hbm>> -> memref<1001x128xf32, #tpu.memory_space<hbm>>
    tpu.wait_indirect_dma semaphore(%arg7 : memref<!tpu.dma_semaphore, #tpu.memory_space<semaphore_mem>>) src(%dma_wait3A_96 : memref<1001x128xf32, #tpu.memory_space<hbm>>) dst(%dma_wait3A_90 : memref<128x128xf32, #tpu.memory_space<vmem>>)
    %add3A_97 = arith.constant 256 : i32
    %add3A_98 = arith.addi %mul3A_2, %add3A_97 : i32
    %dma_start3A_99 = arith.constant 256 : i32
    %dma_start3A_100 = arith.constant 0 : i32
    %dma_start3A_101 = tpu.memref_slice %arg6[%dma_start3A_99, %dma_start3A_100] : memref<512x128xf32, #tpu.memory_space<vmem>> -> memref<128x128xf32, #tpu.memory_space<vmem>>
    %dma_start3A_102 = arith.constant 0 : i32
    %dma_start3A_103 = tpu.memref_slice %arg4[%add3A_98, %dma_start3A_102] : memref<16384x128xf32, #tpu.memory_space<hbm>> -> memref<128x128xf32, #tpu.memory_space<hbm>>
    %dma_start3A_104 = arith.constant 0 : i32
    %dma_start3A_105 = tpu.memref_slice %arg4[%add3A_98, %dma_start3A_104] : memref<16384x128xf32, #tpu.memory_space<hbm>> -> memref<128x128xf32, #tpu.memory_space<hbm>>
    %dma_start3A_106 = arith.constant 256 : i32
    %dma_start3A_107 = arith.constant 0 : i32
    %dma_start3A_108 = tpu.memref_slice %arg6[%dma_start3A_106, %dma_start3A_107] : memref<512x128xf32, #tpu.memory_space<vmem>> -> memref<128x128xf32, #tpu.memory_space<vmem>>
    tpu.enqueue_dma source(%dma_start3A_108 : memref<128x128xf32, #tpu.memory_space<vmem>>) target(%dma_start3A_105 : memref<128x128xf32, #tpu.memory_space<hbm>>) target_semaphore(%arg8 : memref<!tpu.dma_semaphore, #tpu.memory_space<semaphore_mem>>)
    %dma_wait3A_109 = arith.constant 3 : i32
    %dma_wait3A_110 = arith.constant 384 : i32
    %dma_wait3A_111 = arith.constant 0 : i32
    %dma_wait3A_112 = tpu.memref_slice %arg6[%dma_wait3A_110, %dma_wait3A_111] : memref<512x128xf32, #tpu.memory_space<vmem>> -> memref<128x128xf32, #tpu.memory_space<vmem>>
    %dma_wait3A_113 = arith.constant 0 : i32
    %dma_wait3A_114 = tpu.memref_slice %arg5[%dma_wait3A_109, %dma_wait3A_113] : memref<4x128xi32, #tpu.memory_space<vmem>> -> memref<1x128xi32, #tpu.memory_space<vmem>>
    %dma_wait3A_115 = tpu.memref_squeeze %dma_wait3A_114 : memref<1x128xi32, #tpu.memory_space<vmem>> -> memref<128xi32, #tpu.memory_space<vmem>>
    %dma_wait3A_116 = arith.constant 0 : i32
    %dma_wait3A_117 = arith.constant 0 : i32
    %dma_wait3A_118 = tpu.memref_slice %arg3[%dma_wait3A_116, %dma_wait3A_117] : memref<1001x128xf32, #tpu.memory_space<hbm>> -> memref<1001x128xf32, #tpu.memory_space<hbm>>
    tpu.wait_indirect_dma semaphore(%arg7 : memref<!tpu.dma_semaphore, #tpu.memory_space<semaphore_mem>>) src(%dma_wait3A_118 : memref<1001x128xf32, #tpu.memory_space<hbm>>) dst(%dma_wait3A_112 : memref<128x128xf32, #tpu.memory_space<vmem>>)
    %add3A_119 = arith.constant 384 : i32
    %add3A_120 = arith.addi %mul3A_2, %add3A_119 : i32
    %dma_start3A_121 = arith.constant 384 : i32
    %dma_start3A_122 = arith.constant 0 : i32
    %dma_start3A_123 = tpu.memref_slice %arg6[%dma_start3A_121, %dma_start3A_122] : memref<512x128xf32, #tpu.memory_space<vmem>> -> memref<128x128xf32, #tpu.memory_space<vmem>>
    %dma_start3A_124 = arith.constant 0 : i32
    %dma_start3A_125 = tpu.memref_slice %arg4[%add3A_120, %dma_start3A_124] : memref<16384x128xf32, #tpu.memory_space<hbm>> -> memref<128x128xf32, #tpu.memory_space<hbm>>
    %dma_start3A_126 = arith.constant 0 : i32
    %dma_start3A_127 = tpu.memref_slice %arg4[%add3A_120, %dma_start3A_126] : memref<16384x128xf32, #tpu.memory_space<hbm>> -> memref<128x128xf32, #tpu.memory_space<hbm>>
    %dma_start3A_128 = arith.constant 384 : i32
    %dma_start3A_129 = arith.constant 0 : i32
    %dma_start3A_130 = tpu.memref_slice %arg6[%dma_start3A_128, %dma_start3A_129] : memref<512x128xf32, #tpu.memory_space<vmem>> -> memref<128x128xf32, #tpu.memory_space<vmem>>
    tpu.enqueue_dma source(%dma_start3A_130 : memref<128x128xf32, #tpu.memory_space<vmem>>) target(%dma_start3A_127 : memref<128x128xf32, #tpu.memory_space<hbm>>) target_semaphore(%arg8 : memref<!tpu.dma_semaphore, #tpu.memory_space<semaphore_mem>>)
    %dma_wait3A_131 = arith.constant 0 : i32
    %dma_wait3A_132 = arith.constant 0 : i32
    %dma_wait3A_133 = tpu.memref_slice %arg6[%dma_wait3A_131, %dma_wait3A_132] : memref<512x128xf32, #tpu.memory_space<vmem>> -> memref<128x128xf32, #tpu.memory_space<vmem>>
    %dma_wait3A_134 = arith.constant 0 : i32
    %dma_wait3A_135 = tpu.memref_slice %arg4[%add3A_54, %dma_wait3A_134] : memref<16384x128xf32, #tpu.memory_space<hbm>> -> memref<128x128xf32, #tpu.memory_space<hbm>>
    %dma_wait3A_136 = arith.constant 0 : i32
    %dma_wait3A_137 = tpu.memref_slice %arg4[%add3A_54, %dma_wait3A_136] : memref<16384x128xf32, #tpu.memory_space<hbm>> -> memref<128x128xf32, #tpu.memory_space<hbm>>
    %dma_wait3A_138 = arith.constant 0 : i32
    %dma_wait3A_139 = arith.constant 0 : i32
    %dma_wait3A_140 = tpu.memref_slice %arg6[%dma_wait3A_138, %dma_wait3A_139] : memref<512x128xf32, #tpu.memory_space<vmem>> -> memref<128x128xf32, #tpu.memory_space<vmem>>
    tpu.wait_dma2 semaphore(%arg8 : memref<!tpu.dma_semaphore, #tpu.memory_space<semaphore_mem>>) src(%dma_wait3A_140 : memref<128x128xf32, #tpu.memory_space<vmem>>) dst(%dma_wait3A_137 : memref<128x128xf32, #tpu.memory_space<hbm>>)
    %dma_wait3A_141 = arith.constant 128 : i32
    %dma_wait3A_142 = arith.constant 0 : i32
    %dma_wait3A_143 = tpu.memref_slice %arg6[%dma_wait3A_141, %dma_wait3A_142] : memref<512x128xf32, #tpu.memory_space<vmem>> -> memref<128x128xf32, #tpu.memory_space<vmem>>
    %dma_wait3A_144 = arith.constant 0 : i32
    %dma_wait3A_145 = tpu.memref_slice %arg4[%add3A_76, %dma_wait3A_144] : memref<16384x128xf32, #tpu.memory_space<hbm>> -> memref<128x128xf32, #tpu.memory_space<hbm>>
    %dma_wait3A_146 = arith.constant 0 : i32
    %dma_wait3A_147 = tpu.memref_slice %arg4[%add3A_76, %dma_wait3A_146] : memref<16384x128xf32, #tpu.memory_space<hbm>> -> memref<128x128xf32, #tpu.memory_space<hbm>>
    %dma_wait3A_148 = arith.constant 128 : i32
    %dma_wait3A_149 = arith.constant 0 : i32
    %dma_wait3A_150 = tpu.memref_slice %arg6[%dma_wait3A_148, %dma_wait3A_149] : memref<512x128xf32, #tpu.memory_space<vmem>> -> memref<128x128xf32, #tpu.memory_space<vmem>>
    tpu.wait_dma2 semaphore(%arg8 : memref<!tpu.dma_semaphore, #tpu.memory_space<semaphore_mem>>) src(%dma_wait3A_150 : memref<128x128xf32, #tpu.memory_space<vmem>>) dst(%dma_wait3A_147 : memref<128x128xf32, #tpu.memory_space<hbm>>)
    %dma_wait3A_151 = arith.constant 256 : i32
    %dma_wait3A_152 = arith.constant 0 : i32
    %dma_wait3A_153 = tpu.memref_slice %arg6[%dma_wait3A_151, %dma_wait3A_152] : memref<512x128xf32, #tpu.memory_space<vmem>> -> memref<128x128xf32, #tpu.memory_space<vmem>>
    %dma_wait3A_154 = arith.constant 0 : i32
    %dma_wait3A_155 = tpu.memref_slice %arg4[%add3A_98, %dma_wait3A_154] : memref<16384x128xf32, #tpu.memory_space<hbm>> -> memref<128x128xf32, #tpu.memory_space<hbm>>
    %dma_wait3A_156 = arith.constant 0 : i32
    %dma_wait3A_157 = tpu.memref_slice %arg4[%add3A_98, %dma_wait3A_156] : memref<16384x128xf32, #tpu.memory_space<hbm>> -> memref<128x128xf32, #tpu.memory_space<hbm>>
    %dma_wait3A_158 = arith.constant 256 : i32
    %dma_wait3A_159 = arith.constant 0 : i32
    %dma_wait3A_160 = tpu.memref_slice %arg6[%dma_wait3A_158, %dma_wait3A_159] : memref<512x128xf32, #tpu.memory_space<vmem>> -> memref<128x128xf32, #tpu.memory_space<vmem>>
    tpu.wait_dma2 semaphore(%arg8 : memref<!tpu.dma_semaphore, #tpu.memory_space<semaphore_mem>>) src(%dma_wait3A_160 : memref<128x128xf32, #tpu.memory_space<vmem>>) dst(%dma_wait3A_157 : memref<128x128xf32, #tpu.memory_space<hbm>>)
    %dma_wait3A_161 = arith.constant 384 : i32
    %dma_wait3A_162 = arith.constant 0 : i32
    %dma_wait3A_163 = tpu.memref_slice %arg6[%dma_wait3A_161, %dma_wait3A_162] : memref<512x128xf32, #tpu.memory_space<vmem>> -> memref<128x128xf32, #tpu.memory_space<vmem>>
    %dma_wait3A_164 = arith.constant 0 : i32
    %dma_wait3A_165 = tpu.memref_slice %arg4[%add3A_120, %dma_wait3A_164] : memref<16384x128xf32, #tpu.memory_space<hbm>> -> memref<128x128xf32, #tpu.memory_space<hbm>>
    %dma_wait3A_166 = arith.constant 0 : i32
    %dma_wait3A_167 = tpu.memref_slice %arg4[%add3A_120, %dma_wait3A_166] : memref<16384x128xf32, #tpu.memory_space<hbm>> -> memref<128x128xf32, #tpu.memory_space<hbm>>
    %dma_wait3A_168 = arith.constant 384 : i32
    %dma_wait3A_169 = arith.constant 0 : i32
    %dma_wait3A_170 = tpu.memref_slice %arg6[%dma_wait3A_168, %dma_wait3A_169] : memref<512x128xf32, #tpu.memory_space<vmem>> -> memref<128x128xf32, #tpu.memory_space<vmem>>
    tpu.wait_dma2 semaphore(%arg8 : memref<!tpu.dma_semaphore, #tpu.memory_space<semaphore_mem>>) src(%dma_wait3A_170 : memref<128x128xf32, #tpu.memory_space<vmem>>) dst(%dma_wait3A_167 : memref<128x128xf32, #tpu.memory_space<hbm>>)
    return
  }
}

</mosaic_0001>

<sc_bundles>
// kernel: _embed.3.cloned.1.call-start
scs
__scs_entry_jumppad:
0x0: {  	(pc) =	sbr.rel $0x88, $3  }
0x1: {  	(tag) =	ssettag $0x0;
	lr =	simm.s32 $0x1  }
0x2: {  	[smem:$0x3F9F] =	sst lr;
	_ =	strace $0xD0000000  }
0x3: {  	_ = 	snop  }
0x4: {  	_ = 	snop  }
0x5: {  	_ = 	snop  }
0x6: {  	_ = 	snop  }
0x7: {  	_ = 	snop  }
__scs_overlays_trampoline_lowered:
0x8: {  	[smem:$0x3FAE] =	sst s0  }
0x9: {  	[smem:$0x3FAF] =	sst s1  }
0xa: {  	[smem:$0x3FB0] =	sst s2  }
0xb: {  	[smem:$0x3FB1] =	sst s3  }
0xc: {  	[smem:$0x3FB2] =	sst s4  }
0xd: {  	[smem:$0x3FB3] =	sst s5  }
0xe: {  	[smem:$0x3FB4] =	sst s6  }
0xf: {  	[smem:$0x3FB5] =	sst s7  }
0x10: {  	[smem:$0x3FB6] =	sst s8  }
0x11: {  	[smem:$0x3FB7] =	sst s9;
	s0 =	simm.s32 @!p0 $0x0  }
0x12: {  	s1 =	sld [smem:$0x3F9D];
	s0 =	simm.s32 @p0 $0x1  }
0x13: {  	[smem:$0x3FB8] =	sst s0;
	s0 =	simm.s32 @!p1 $0x0  }
0x14: {  	s2 =	sld [smem:$0x3F9C];
	s0 =	simm.s32 @p1 $0x1  }
0x15: {  	[smem:$0x3FB9] =	sst s0;
	s0 =	simm.s32 @!p2 $0x0  }
0x16: {  	s3 =	sld [smem:$0x3FDB];
	s0 =	simm.s32 @p2 $0x1  }
0x17: {  	s4 =	simm.s32 $0x1BF5;
	[smem:$0x3FBB] =	sst s0  }
0x18: {  	s0 =	sld [smem:$0x3F9E];
	_ =	swait.ge [sflag:s4], $0x0  }
0x19: {  	s7 =	sld [smem:$0x3F9F]  }
0x1a: {  	s8 =	sadd.s32 $0xFFFFE003, lr  }
0x1b: {  	s9 =	sadd.s32 $0xFFFFFEF7, lr;
	s5 =	simm.s32 $0xFFFFFFFF;
	p2 =	slt.u32 s8, $0xFFFFF086  }
0x1c: {  	p1 =	slt.u32 s9, $0xF7A;
	s5 =	simm.s32 @!p2 $0x0  }
0x1d: {  	s5 =	simm.s32 @p1 $0x1;
	p0 =	seq.s32 s7, s2  }
0x1e: {  	s7 =	smul.u32 @!p0 $0xF7A, s2;
	p2 =	seq.s32 @!p0 s5, $0x0  }
0x1f: {  	s9 =	smul.u32 $0xF7A, s1;
	s8 =	simm.s32 @!p0 $0x1BF5;
	p2 =	por !p2, p0  }
0x20: {  	[sflag:s8] =	ssyncset.s32 @!p0 $0xFFFFF086;
	s6 =	sadd.s32 @!p0 s3, s7;
	s7 =	simm.s32 @!p0 $0x108  }
0x21: {  	s3 =	sadd.s32 s3, s9;
	s6 =	sadd.s32 @!p0 $0x88, s6;
	s7 =	simm.s32 @p2 $0x1082  }
0x22: {  	[simem:s7], [sflag:s8] =	dma.local @!p0 [hbm:s6], $0xF7A  }
0x23: {  	s9 =	sor.u32 $0xD0000000, s2;
	s6 =	simm.s32 $0x108;
	_ =	swait.ge @!p0 [sflag:s8], $0x0  }
0x24: {  	s3 =	sadd.s32 $0x88, s3;
	s6 =	simm.s32 @!p1 $0x1082;
	[sflag:s4] =	ssyncset.s32 $0xFFFFF086  }
0x25: {  	[simem:s6], [sflag:s4] =	dma.local [hbm:s3], $0xF7A  }
0x26: {  	[smem:$0x3F9F] =	sst s1;
	(tag) =	ssettag s2;
	_ =	strace s9  }
0x27: {  	s1 =	sld [smem:$0x3FAF]  }
0x28: {  	s2 =	sld [smem:$0x3FB0]  }
0x29: {  	s4 =	sld [smem:$0x3FB2]  }
0x2a: {  	p0 =	seq.s32 s5, $0x0;
	s5 =	sld [smem:$0x3FB3]  }
0x2b: {  	s6 =	sld [smem:$0x3FB4]  }
0x2c: {  	s7 =	sld [smem:$0x3FB5]  }
0x2d: {  	s3 =	simm.s32 $0x108;
	s8 =	sld [smem:$0x3FB6]  }
0x2e: {  	s3 =	simm.s32 @!p0 $0x1082;
	s9 =	sld [smem:$0x3FB7]  }
0x2f: {  	lr =	sadd.s32 s0, s3;
	s0 =	sld [smem:$0x3FAE]  }
0x30: {  	s3 =	sld [smem:$0x3FB1]  }
0x31: {  	[smem:$0x3FBA] =	sst s10  }
0x32: {  	s10 =	sld [smem:$0x3FB8];
	_ =	sdelay $0x3  }
0x33: {  	p0 =	seq.s32 s10, $0x1;
	s10 =	sld [smem:$0x3FBA];
	_ =	sdelay $0x3  }
0x34: {  	[smem:$0x3FBA] =	sst s10  }
0x35: {  	s10 =	sld [smem:$0x3FB9];
	_ =	sdelay $0x3  }
0x36: {  	p1 =	seq.s32 s10, $0x1;
	s10 =	sld [smem:$0x3FBA];
	_ =	sdelay $0x3  }
0x37: {  	[smem:$0x3FBA] =	sst s10  }
0x38: {  	s10 =	sld [smem:$0x3FBB]  }
0x39: {  	_ = 	snop;
	(pc) =	sbr.ind lr, $3  }
0x3a: {  	_ = 	snop  }
0x3b: {  	_ = 	snop  }
0x3c: {  	p2 =	seq.s32 s10, $0x1;
	s10 =	sld [smem:$0x3FBA]  }
0x3d: {  	_ =	shalt  }
0x3e: {  	_ =	shalt  }
0x3f: {  	_ =	shalt  }
0x40: {  	_ =	shalt  }
0x41: {  	_ =	shalt  }
0x42: {  	_ =	shalt  }
0x43: {  	_ =	shalt  }
0x44: {  	_ =	shalt  }
0x45: {  	_ =	shalt  }
0x46: {  	_ =	shalt  }
0x47: {  	_ =	shalt  }
0x48: {  	_ =	shalt  }
0x49: {  	_ =	shalt  }
0x4a: {  	_ =	shalt  }
0x4b: {  	_ =	shalt  }
0x4c: {  	_ =	shalt  }
0x4d: {  	_ =	shalt  }
0x4e: {  	_ =	shalt  }
0x4f: {  	_ =	shalt  }
0x50: {  	_ =	shalt  }
0x51: {  	_ =	shalt  }
0x52: {  	_ =	shalt  }
0x53: {  	_ =	shalt  }
0x54: {  	_ =	shalt  }
0x55: {  	_ =	shalt  }
0x56: {  	_ =	shalt  }
0x57: {  	_ =	shalt  }
0x58: {  	_ =	shalt  }
0x59: {  	_ =	shalt  }
0x5a: {  	_ =	shalt  }
0x5b: {  	_ =	shalt  }
0x5c: {  	_ =	shalt  }
0x5d: {  	_ =	shalt  }
0x5e: {  	_ =	shalt  }
0x5f: {  	_ =	shalt  }
0x60: {  	_ =	shalt  }
0x61: {  	_ =	shalt  }
0x62: {  	_ =	shalt  }
0x63: {  	_ =	shalt  }
0x64: {  	_ =	shalt  }
0x65: {  	_ =	shalt  }
0x66: {  	_ =	shalt  }
0x67: {  	_ =	shalt  }
0x68: {  	_ =	shalt  }
0x69: {  	_ =	shalt  }
0x6a: {  	_ =	shalt  }
0x6b: {  	_ =	shalt  }
0x6c: {  	_ =	shalt  }
0x6d: {  	_ =	shalt  }
0x6e: {  	_ =	shalt  }
0x6f: {  	_ =	shalt  }
0x70: {  	_ =	shalt  }
0x71: {  	_ =	shalt  }
0x72: {  	_ =	shalt  }
0x73: {  	_ =	shalt  }
0x74: {  	_ =	shalt  }
0x75: {  	_ =	shalt  }
0x76: {  	_ =	shalt  }
0x77: {  	_ =	shalt  }
0x78: {  	_ =	shalt  }
0x79: {  	_ =	shalt  }
0x7a: {  	_ =	shalt  }
0x7b: {  	_ =	shalt  }
0x7c: {  	_ =	shalt  }
0x7d: {  	_ =	shalt  }
0x7e: {  	_ =	shalt  }
0x7f: {  	_ =	shalt  }
0x80: {  	_ =	shalt  }
0x81: {  	_ =	shalt  }
0x82: {  	_ =	shalt  }
0x83: {  	_ =	shalt  }
0x84: {  	_ =	shalt  }
0x85: {  	_ =	shalt  }
0x86: {  	_ =	shalt  }
0x87: {  	_ =	shalt  }
.Lfunc_end0:
.L_simem_size_0:
called_computation_lowered:
.L_overlay_start_0:
0x88: {  	s2 =	sld [smem:$0x3FD9]  }
0x89: {  	s3 =	sld [smem:$0x3FFE];
	_ =	sdelay $0x1  }
0x8a: {  	s1 =	srdreg.scid  }
0x8b: {  	s0 =	sand.u32 $0x1, s1  }
0x8c: {  	s18 =	sshll.u32 s0, $0xA;
	s2 =	sadd.s32 s3, s2  }
0x8d: {  	s2 =	sadd.s32 s2, s18  }
0x8e: {  	[smem:$0x3FC6] =	sst s2  }
0x8f: {  	_ = 	snop  }
0x90: {  	s2 =	sld [smem:$0x3FC9]  }
0x91: {  	s19 =	sld [smem:$0x3FC8]  }
0x92: {  	s4 =	sld [smem:$0x3FD0];
	(tm) =	ssettm $0x1  }
0x93: {  	s5 =	sld [smem:$0x3FFB];
	_ =	sdelay $0x3  }
0x94: {  	_ =	strace s5  }
0x95: {  	s5 =	sld [smem:$0x3FFC];
	_ =	sdelay $0x3  }
0x96: {  	_ =	strace s5  }
0x97: {  	s5 =	sld [smem:$0x3FFD];
	_ =	sdelay $0x3  }
0x98: {  	_ =	strace s5  }
0x99: {  	_ =	strace $0x8FFFFFFF  }
0x9a: {  	s20 =	sld [smem:$0x3FDB];
	_ =	sdelay $0x1  }
0x9b: {  	s6 =	simm.s32 $_scs_section_size  }
0x9c: {  	s7 =	simm.s32 $_size__tile_overlayer_lowered;
	s8 =	simm.s32 $_tile_overlayer_lowered  }
0x9d: {  	s23 =	simm.s32 $0x1BFF;
	s22 =	sshll.u32 s8, $0x1;
	s5 =	sadd.s32 s6, s20  }
0x9e: {  	s9 =	simm.s32 $0x0;
	s21 =	sshll.u32 s7, $0x1;
	s7 =	sadd.s32 s22, s5  }
0x9f: {  	[timem:s9], [sflag:s23] =	dma.local [hbm:s7], s21  }
0xa0: {  	_ =	swait.ge [sflag:s23], s21  }
0xa1: {  	s6 =	ssub.s32 $0x0, s21;
	[sflag:s23] =	ssyncset.done $0x0  }
0xa2: {  	[sflag:s23] =	ssyncadd.s32 s6;
	_ =	sdelay $0x1  }
0xa3: {  	s24 =	simm.s32 $0x1B8B  }
0xa4: {  	_ =	swait.ge [sflag:s24], $0x1  }
0xa5: {  	[sflag:s24] =	ssyncset.done $0x0  }
0xa6: {  	s25 =	simm.s32 $0x1B8E;
	[sflag:s24] =	ssyncadd.s32 $0xFFFFFFFF  }
0xa7: {  	s26 =	simm.s32 $execute0_lowered;
	[smem:$0x3FD2] =	sst s25  }
0xa8: {  	s6 =	sshll.u32 s26, $0x1;
	_ =	strace $0x80000046;
	[dreg:$0x1] =	wrdreg $0xFFFFFFFF  }
0xa9: {  	s28 =	simm.s32 $_size_execute0_lowered;
	s5 =	sadd.s32 s5, s6;
	[dreg:$0x0] =	wrdreg $0x0  }
0xaa: {  	s6 =	sshll.u32 s28, $0x1;
	[dreg:$0x2] =	wrdreg s5  }
0xab: {  	[dreg:$0x3] =	wrdreg s6  }
0xac: {  	[dreg:$0x4] =	wrdreg $0xC0  }
0xad: {  	_ =	task [dreg:s9], $0x5FFFF  }
0xae: {  	[dreg:$0x1] =	wrdreg $0xFFFFFFFF  }
0xaf: {  	[dreg:$0x0] =	wrdreg $0x60  }
0xb0: {  	[dreg:$0x2] =	wrdreg s2  }
0xb1: {  	[dreg:$0x3] =	wrdreg s19  }
0xb2: {  	[dreg:$0x4] =	wrdreg s4  }
0xb3: {  	[dreg:$0x5] =	wrdreg $0x9  }
0xb4: {  	_ =	task.clear_ibuf [dreg:s9], $0x6FFFF;
	_ =	strace $0x90000046  }
0xb5: {  	s29 =	simm.s32 $0x9;
	_ =	strace $0x80000048  }
0xb6: {  	_ =	swait.ge [sflag:s29], $0x1  }
0xb7: {  	[sflag:s29] =	ssyncadd.s32 $0xFFFFFFFF  }
0xb8: {  	_ =	strace $0x90000048  }
0xb9: {  	_ =	sfence  }
0xba: {  	s30 =	sld [smem:$0x0];
	_ =	sdelay $0x2  }
0xbb: {  	s31 =	sshll.u32 s1, $0xD;
	s1 =	sshrl.u32 s1, $0x2  }
0xbc: {  	s3 =	sand.u32 $0x4000, s31;
	s1 =	sadd.s32 s1, s30  }
0xbd: {  	s0 =	sor.u32 s3, s0;
	s1 =	sshll.u32 s1, $0x11  }
0xbe: {  	s0 =	sor.u32 s1, s0  }
0xbf: {  	s0 =	sadd.s32 $0x8F2B, s0  }
0xc0: {  	[sflag:s0] =	ssyncadd.remote.s32 $0x1  }
0xc1: {  	_ =	sfence.sel $0xFFFF  }
0xc2: {  	[dreg:$0x0] =	wrdreg $0xFFFFFFFF;
	(pc) =	sbr.abs _section_cstart, $3  }
0xc3: {  	[dreg:$0x1] =	wrdreg $0xFFFFFFFF  }
0xc4: {  	_ =	task.clear_ibuf [dreg:s9], $0x2FFFF;
	_ =	strace $0x9FFFFFFF  }
0xc5: {  	(tm) =	ssettm $0x7FFFFFFF  }
tec
execute0_lowered:
.L_overlay_start_1:
0x0: {  	(tag) =	ssettag $0x1  }
0x1: {  	s4 =	rddreg [dreg:$0x0]  }
0x2: {  	s1 =	rddreg [dreg:$0x1]  }
0x3: {  	s14 =	rddreg [dreg:$0x2];
	s2 =	srdreg.scid  }
0x4: {  	s0 =	rddreg [dreg:$0x3];
	s19 =	sand.u32 $0x1, s2  }
0x5: {  	s3 =	simm.s32 $0x0;
	s2 =	stileid.u32;
	s5 =	sshll.u32 s19, $0x6  }
0x6: {  	[smem:$0x7FF] =	sst s3;
	s6 =	sshll.u32 s2, $0x7;
	s4 =	sadd.s32 s4, s5  }
0x7: {  	_ =	strace $0x80000047;
	s5 =	simm.s32 $0x3;
	s4 =	sadd.s32 s6, s4  }
0x8: {  	[tilespmem:s3], [sflag:$0x3] =	stream.linear.gather [hbm4b:s4+s3], $0x200, $0x38;
	[tilespmem:$0x10200] =	vst v63  }
0x9: {  	_ =	swait.ge [sflag:s5], $0x200  }
0xa: {  	[sflag:s5] =	ssyncset.done $0x0  }
0xb: {  	s7 =	simm.s32 $0x200;
	s6 =	simm.s32 $0x80;
	[sflag:s5] =	ssyncadd.s32 $0xFFFFFE00  }
0xc: {  	[tilespmem:s7], [sflag:$0x1] =	stream.indirect.gather [hbm4b:s1+s6], $0x80, s3, s6, $0xb8;
	[tilespmem:$0x10200] =	vst v63  }
0xd: {  	s8 =	simm.s32 $0x4200  }
0xe: {  	[tilespmem:s8], [sflag:$0x1] =	stream.indirect.gather [hbm4b:s1+s6], $0x80, s6, s6, $0xb8;
	[tilespmem:$0x10200] =	vst v63  }
0xf: {  	s9 =	simm.s32 $0x100;
	s10 =	simm.s32 $0x8200  }
0x10: {  	[tilespmem:s10], [sflag:$0x1] =	stream.indirect.gather [hbm4b:s1+s6], $0x80, s9, s6, $0xb8;
	[tilespmem:$0x10200] =	vst v63  }
0x11: {  	s11 =	simm.s32 $0x180;
	s12 =	simm.s32 $0xC200;
	s13 =	simm.s32 $0x1  }
0x12: {  	[tilespmem:s12], [sflag:$0x1] =	stream.indirect.gather [hbm4b:s1+s6], $0x80, s11, s6, $0xb8;
	[tilespmem:$0x10200] =	vst v63  }
0x13: {  	s15 =	sshll.u32 s2, $0xE;
	s16 =	sshll.u32 s19, $0xD;
	_ =	swait.ge [sflag:s13], $0x4000  }
0x14: {  	s15 =	sor.u32 s16, s15;
	[sflag:s13] =	ssyncset.done $0x0  }
0x15: {  	s14 =	sadd.s32 s14, s15;
	[sflag:s13] =	ssyncadd.s32 $0xFFFFC000  }
0x16: {  	[hbm4b:s14+s3] =	stream.linear.scatter [tilespmem:s7], [sflag:$0x2], $0x4000, $0x38;
	[tilespmem:$0x10200] =	vst v63  }
0x17: {  	_ =	swait.ge [sflag:s13], $0x4000  }
0x18: {  	[sflag:s13] =	ssyncset.done $0x0  }
0x19: {  	s15 =	sadd.s32 $0x800, s14;
	[sflag:s13] =	ssyncadd.s32 $0xFFFFC000  }
0x1a: {  	[hbm4b:s15+s3] =	stream.linear.scatter [tilespmem:s8], [sflag:$0x2], $0x4000, $0x38;
	[tilespmem:$0x10200] =	vst v63  }
0x1b: {  	_ =	swait.ge [sflag:s13], $0x4000  }
0x1c: {  	[sflag:s13] =	ssyncset.done $0x0  }
0x1d: {  	s16 =	sadd.s32 $0x1000, s14;
	[sflag:s13] =	ssyncadd.s32 $0xFFFFC000  }
0x1e: {  	[hbm4b:s16+s3] =	stream.linear.scatter [tilespmem:s10], [sflag:$0x2], $0x4000, $0x38;
	[tilespmem:$0x10200] =	vst v63  }
0x1f: {  	_ =	swait.ge [sflag:s13], $0x4000  }
0x20: {  	[sflag:s13] =	ssyncset.done $0x0  }
0x21: {  	s17 =	simm.s32 $0x2;
	s18 =	sadd.s32 $0x1800, s14;
	[sflag:s13] =	ssyncadd.s32 $0xFFFFC000  }
0x22: {  	[hbm4b:s18+s3] =	stream.linear.scatter [tilespmem:s12], [sflag:$0x2], $0x4000, $0x38;
	[tilespmem:$0x10200] =	vst v63  }
0x23: {  	_ =	swait.ge [sflag:s17], $0x4000  }
0x24: {  	s19 =	ssub.s32 $0x2, s19;
	[sflag:s17] =	ssyncset.done $0x0  }
0x25: {  	s20 =	sshrl.u32 s19, $0x1;
	[sflag:s17] =	ssyncadd.s32 $0xFFFFC000  }
0x26: {  	s19 =	ssub.s32 s19, s20;
	_ =	swait.ge [sflag:s17], $0x4000  }
0x27: {  	s19 =	smax.u32 s19, $0x1;
	[sflag:s17] =	ssyncset.done $0x0  }
0x28: {  	p0 =	sne.s32 s19, $0x1;
	[sflag:s17] =	ssyncadd.s32 $0xFFFFC000  }
.Ltmp0:
0x29: {  	_ =	swait.ge [sflag:s17], $0x4000;
	(pc) =	sbr.rel @!p0 .LBB2_2-.Ltmp0, $4  }
0x2a: {  	[sflag:s17] =	ssyncset.done $0x0  }
0x2b: {  	[sflag:s17] =	ssyncadd.s32 $0xFFFFC000  }
0x2c: {  	_ =	swait.ge [sflag:s17], $0x4000  }
0x2d: {  	s19 =	sadd.s32 $0xFFFFFFFF, s19;
	[sflag:s17] =	ssyncset.done $0x0  }
.LBB2_1:
0x2e: {  	p0 =	sne.s32 s19, $0x1;
	s19 =	sadd.s32 $0xFFFFFFFF, s19;
	[sflag:s17] =	ssyncadd.s32 $0xFFFFC000  }
0x2f: {  	[tilespmem:s3], [sflag:$0x3] =	stream.linear.gather [hbm4b:s4+s3], $0x200, $0x38;
	[tilespmem:$0x10200] =	vst v63  }
0x30: {  	_ =	swait.ge [sflag:s5], $0x200  }
0x31: {  	[sflag:s5] =	ssyncset.done $0x0  }
0x32: {  	[sflag:s5] =	ssyncadd.s32 $0xFFFFFE00  }
0x33: {  	[tilespmem:s7], [sflag:$0x1] =	stream.indirect.gather [hbm4b:s1+s6], $0x80, s3, s6, $0xb8;
	[tilespmem:$0x10200] =	vst v63  }
0x34: {  	_ = 	snop  }
0x35: {  	[tilespmem:s8], [sflag:$0x1] =	stream.indirect.gather [hbm4b:s1+s6], $0x80, s6, s6, $0xb8;
	[tilespmem:$0x10200] =	vst v63  }
0x36: {  	_ = 	snop  }
0x37: {  	[tilespmem:s10], [sflag:$0x1] =	stream.indirect.gather [hbm4b:s1+s6], $0x80, s9, s6, $0xb8;
	[tilespmem:$0x10200] =	vst v63  }
0x38: {  	_ = 	snop  }
0x39: {  	[tilespmem:s12], [sflag:$0x1] =	stream.indirect.gather [hbm4b:s1+s6], $0x80, s11, s6, $0xb8;
	[tilespmem:$0x10200] =	vst v63  }
0x3a: {  	_ =	swait.ge [sflag:s13], $0x4000  }
0x3b: {  	[sflag:s13] =	ssyncset.done $0x0  }
0x3c: {  	[sflag:s13] =	ssyncadd.s32 $0xFFFFC000  }
0x3d: {  	[hbm4b:s14+s3] =	stream.linear.scatter [tilespmem:s7], [sflag:$0x2], $0x4000, $0x38;
	[tilespmem:$0x10200] =	vst v63  }
0x3e: {  	_ =	swait.ge [sflag:s13], $0x4000  }
0x3f: {  	[sflag:s13] =	ssyncset.done $0x0  }
0x40: {  	[sflag:s13] =	ssyncadd.s32 $0xFFFFC000  }
0x41: {  	[hbm4b:s15+s3] =	stream.linear.scatter [tilespmem:s8], [sflag:$0x2], $0x4000, $0x38;
	[tilespmem:$0x10200] =	vst v63  }
0x42: {  	_ =	swait.ge [sflag:s13], $0x4000  }
0x43: {  	[sflag:s13] =	ssyncset.done $0x0  }
0x44: {  	[sflag:s13] =	ssyncadd.s32 $0xFFFFC000  }
0x45: {  	[hbm4b:s16+s3] =	stream.linear.scatter [tilespmem:s10], [sflag:$0x2], $0x4000, $0x38;
	[tilespmem:$0x10200] =	vst v63  }
0x46: {  	_ =	swait.ge [sflag:s13], $0x4000  }
0x47: {  	[sflag:s13] =	ssyncset.done $0x0  }
0x48: {  	[sflag:s13] =	ssyncadd.s32 $0xFFFFC000  }
0x49: {  	[hbm4b:s18+s3] =	stream.linear.scatter [tilespmem:s12], [sflag:$0x2], $0x4000, $0x38;
	[tilespmem:$0x10200] =	vst v63  }
0x4a: {  	_ =	swait.ge [sflag:s17], $0x4000  }
0x4b: {  	[sflag:s17] =	ssyncset.done $0x0  }
0x4c: {  	[sflag:s17] =	ssyncadd.s32 $0xFFFFC000  }
0x4d: {  	_ =	swait.ge [sflag:s17], $0x4000  }
0x4e: {  	[sflag:s17] =	ssyncset.done $0x0  }
0x4f: {  	[sflag:s17] =	ssyncadd.s32 $0xFFFFC000  }
.Ltmp1:
0x50: {  	_ =	swait.ge [sflag:s17], $0x4000;
	(pc) =	sbr.rel @p0 .LBB2_1-.Ltmp1, $4  }
0x51: {  	[sflag:s17] =	ssyncset.done $0x0  }
0x52: {  	[sflag:s17] =	ssyncadd.s32 $0xFFFFC000  }
0x53: {  	_ =	swait.ge [sflag:s17], $0x4000  }
0x54: {  	[sflag:s17] =	ssyncset.done $0x0  }
.LBB2_2:
0x55: {  	[sflag:s17] =	ssyncadd.s32 $0xFFFFC000  }
0x56: {  	_ =	sfence.sel $0x180000  }
0x57: {  	[bflag:$0x0] =	sbarrier.arrive $0xFFFF  }
0x58: {  	p0 =	sne.s32 s2, $0x0;
	_ =	strace $0x90000047  }
0x59: {  	s0 =	sadd.s32 @!p0 $0x100000, s0;
	[bflag:$0x2] =	sbarrier.arrive $0xFFFF  }
0x5a: {  	[sflag:s0] =	ssyncadd.tile.s32 @!p0 $0x1;
	_ =	shalt  }
.Lfunc_end2:
_tile_overlayer_lowered:
.L_overlay_start_2:
0x5b: {  	(tag) =	ssettag $0x2  }
0x5c: {  	s0 =	rddreg [dreg:$0x0];
	s2 =	stileid.u32  }
0x5d: {  	s1 =	rddreg [dreg:$0x1];
	p0 =	sne.s32 s2, $0x0  }
0x5e: {  	s3 =	rddreg [dreg:$0x2];
	[bflag:$0x3] =	sbarrier.arrive $0xFFFF;
	s2 =	simm.s32 @!p0 $0x1C03  }
0x5f: {  	[timem:s3], [sflag:s2] =	dma.local @!p0 [hbm:s0], s1  }
0x60: {  	s0 =	simm.s32 @!p0 $0x3  }
0x61: {  	_ =	swait.ge @!p0 [sflag:s0], s1  }
0x62: {  	s1 =	ssub.s32 @!p0 $0x0, s1;
	[sflag:s0] =	ssyncset.done @!p0 $0x0  }
0x63: {  	[sflag:s0] =	ssyncadd.s32 @!p0 s1  }
0x64: {  	[bflag:$0x3] =	sbarrier.arrive $0xFFFF  }
0x65: {  	_ =	shalt  }

</sc_bundles>
